<compile_context>
chip_gen: v7x
topology: tpu7x:2x2x1
jax: 0.10.2.dev20260603
libtpu: 0.0.44.dev20260713+nightly
codegen_flags: <defaults>
</compile_context>

<pallas_src>
import functools

import jax
import jax.numpy as jnp
from jax import lax
from jax.experimental import pallas as pl
from jax.experimental.pallas import tpu as pltpu
from jax.experimental.pallas import tpu_sc as plsc

B = 16384
V = 1000000
D = 16
N_CAT = 10
D_IN = N_CAT * D + 3
H = 32

NC = 2
NS = 16
NW = NC * NS
TOT = B * N_CAT
PER_W = TOT // NW
CHUNK = 128
NCH = PER_W // CHUNK


def _sc_gather(table, idx):
    mesh = plsc.VectorSubcoreMesh(core_axis_name="c", subcore_axis_name="s")

    @functools.partial(
        pl.kernel,
        out_type=jax.ShapeDtypeStruct((NW, NCH, CHUNK, D), jnp.float32),
        mesh=mesh,
        scratch_types=[
            pltpu.VMEM((NCH, CHUNK), jnp.int32),
            pltpu.VMEM((NCH, CHUNK, D), jnp.float32),
            pltpu.SemaphoreType.DMA,
        ],
        compiler_params=pltpu.CompilerParams(use_tc_tiling_on_sc=False),
    )
    def k(table_hbm, idx_hbm, out_hbm, idx_v, rows_v, sem):
        wid = lax.axis_index("s") * NC + lax.axis_index("c")
        pltpu.sync_copy(idx_hbm.at[wid], idx_v)

        def start(j, carry):
            pltpu.make_async_copy(
                table_hbm.at[idx_v.at[j]], rows_v.at[j], sem
            ).start()
            return carry

        lax.fori_loop(0, NCH, start, 0)
        pltpu.make_async_copy(out_hbm.at[wid], rows_v, sem).wait()
        pltpu.sync_copy(rows_v, out_hbm.at[wid])

    return k(table, idx)


def _mlp_body(emb_ref, cont_ref, w10, b10, wo0, bo0, w11, b11, wo1, bo1,
              wout, bout, out_ref):
    x = jnp.concatenate([emb_ref[...], cont_ref[...]], axis=1)
    for (w1, b1, wo, bo) in ((w10, b10, wo0, bo0), (w11, b11, wo1, bo1)):
        h = jnp.maximum(
            jnp.dot(x, w1[...], preferred_element_type=jnp.float32) + b1[...],
            0.0)
        o = jnp.dot(h, wo[...], preferred_element_type=jnp.float32) + bo[...]
        x = jnp.maximum(o + x, 0.0)
    z = jnp.dot(x, wout[...], preferred_element_type=jnp.float32) + bout[...]
    out_ref[...] = jax.nn.sigmoid(z)


def _mlp(emb_flat, cont, w10, b10, wo0, bo0, w11, b11, wo1, bo1, wout, bout,
         blk=2048):
    grid = (B // blk,)
    full = lambda shape: pl.BlockSpec(shape, lambda i: (0, 0))
    return pl.pallas_call(
        _mlp_body,
        grid=grid,
        in_specs=[
            pl.BlockSpec((blk, N_CAT * D), lambda i: (i, 0)),
            pl.BlockSpec((blk, 3), lambda i: (i, 0)),
            full((D_IN, H)), full((1, H)), full((H, D_IN)), full((1, D_IN)),
            full((D_IN, H)), full((1, H)), full((H, D_IN)), full((1, D_IN)),
            full((D_IN, 1)), full((1, 1)),
        ],
        out_specs=pl.BlockSpec((blk, 1), lambda i: (i, 0)),
        out_shape=jax.ShapeDtypeStruct((B, 1), jnp.float32),
    )(emb_flat, cont, w10, b10, wo0, bo0, w11, b11, wo1, bo1, wout, bout)


def kernel(uid, iid, utag1, utag2, utag3, utag4, itag1, itag2, itag3, itag4,
           itag4_origin, itag4_square, itag4_cube,
           embed, W1_0, b1_0, Wo_0, bo_0, W1_1, b1_1, Wo_1, bo_1, Wout, bout):
    x_cate = jnp.concatenate(
        [uid, iid, utag1, utag2, utag3, utag4, itag1, itag2, itag3, itag4],
        axis=1)
    idx = x_cate.reshape(NW, NCH, CHUNK)
    rows = _sc_gather(embed, idx)
    emb_flat = rows.reshape(B, N_CAT * D)
    cont = jnp.concatenate([itag4_origin, itag4_square, itag4_cube], axis=1)
    return _mlp(emb_flat, cont,
                W1_0, b1_0.reshape(1, H), Wo_0, bo_0.reshape(1, D_IN),
                W1_1, b1_1.reshape(1, H), Wo_1, bo_1.reshape(1, D_IN),
                Wout, bout.reshape(1, 1))

# --- scband reference (transcript-rebuilt; emitter-appended) ---
"""Pipeline reference for scband-deep-crossing-layer-5257039971042 (READ-ONLY COPY).

The authoritative reference and input builder live on the scoring server;
editing this copy changes nothing except your own understanding.
"""

import jax, jax.numpy as jnp
import numpy as np

B = 16384
V = 1000000
D = 16
N_CAT = 10
D_IN = N_CAT * D + 3  # 163
H = 32

CAT_NAMES = ['uid', 'iid', 'utag1', 'utag2', 'utag3', 'utag4', 'itag1', 'itag2', 'itag3', 'itag4']
CONT_NAMES = ['itag4_origin', 'itag4_square', 'itag4_cube']


def setup_inputs(seed: int = 0) -> dict:
    key = jax.random.key(seed)
    inp = {}
    for i, n in enumerate(CAT_NAMES):
        inp[n] = jax.random.randint(jax.random.fold_in(key, i), (B, 1), 0, V, dtype=jnp.int32)
    for i, n in enumerate(CONT_NAMES):
        inp[n] = jax.random.normal(jax.random.fold_in(key, 100 + i), (B, 1), dtype=jnp.float32)
    # embedding table
    inp['embed'] = jax.random.normal(jax.random.fold_in(key, 200), (V, D), dtype=jnp.float32) * 0.05
    # res layer 0
    inp['W1_0'] = jax.random.normal(jax.random.fold_in(key, 201), (D_IN, H), dtype=jnp.float32) * (1.0 / np.sqrt(D_IN))
    inp['b1_0'] = jnp.zeros((H,), dtype=jnp.float32)
    inp['Wo_0'] = jax.random.normal(jax.random.fold_in(key, 202), (H, D_IN), dtype=jnp.float32) * (1.0 / np.sqrt(H))
    inp['bo_0'] = jnp.zeros((D_IN,), dtype=jnp.float32)
    # res layer 1
    inp['W1_1'] = jax.random.normal(jax.random.fold_in(key, 203), (D_IN, H), dtype=jnp.float32) * (1.0 / np.sqrt(D_IN))
    inp['b1_1'] = jnp.zeros((H,), dtype=jnp.float32)
    inp['Wo_1'] = jax.random.normal(jax.random.fold_in(key, 204), (H, D_IN), dtype=jnp.float32) * (1.0 / np.sqrt(H))
    inp['bo_1'] = jnp.zeros((D_IN,), dtype=jnp.float32)
    # output layer
    inp['Wout'] = jax.random.normal(jax.random.fold_in(key, 205), (D_IN, 1), dtype=jnp.float32) * (1.0 / np.sqrt(D_IN))
    inp['bout'] = jnp.zeros((1,), dtype=jnp.float32)
    return inp


def reference(uid, iid, utag1, utag2, utag3, utag4, itag1, itag2, itag3, itag4,
              itag4_origin, itag4_square, itag4_cube,
              embed, W1_0, b1_0, Wo_0, bo_0, W1_1, b1_1, Wo_1, bo_1, Wout, bout):
    X_cont = jnp.concatenate([itag4_origin, itag4_square, itag4_cube], axis=1)  # [B,3]
    X_cate = jnp.concatenate([uid, iid, utag1, utag2, utag3, utag4, itag1, itag2, itag3, itag4], axis=1)  # [B,10]
    emb = jnp.take(embed, X_cate, axis=0)  # [B,10,D]
    emb_flat = emb.reshape(emb.shape[0], -1)  # [B,160]
    x = jnp.concatenate([emb_flat, X_cont], axis=1)  # [B,163]
    for (W1, b1, Wo, bo) in [(W1_0, b1_0, Wo_0, bo_0), (W1_1, b1_1, Wo_1, bo_1)]:
        h = jax.nn.relu(x @ W1 + b1)
        o = h @ Wo + bo
        x = jax.nn.relu(o + x)
    out = jax.nn.sigmoid(x @ Wout + bout)  # [B,1]
    return out

if __name__ == "__main__":
    import jax
    _d = setup_inputs()
    print(jax.jit(kernel)(*tuple(_d.values())))

</pallas_src>

<mosaic_0001>
#map = affine_map<(d0, d1) -> (0, 0)>
#map1 = affine_map<(d0, d1) -> (0, 0, 0)>
#map2 = affine_map<(d0, d1) -> (0, 0, 0, 0)>
module attributes {stable_mosaic.version = 14 : i64} {
  func.func @k(%arg0: i32, %arg1: i32, %arg2: memref<1000000x16xf32, #tpu.memory_space<hbm>>, %arg3: memref<32x40x128xi32, #tpu.memory_space<hbm>>, %arg4: memref<32x40x128x16xf32, #tpu.memory_space<hbm>>, %arg5: memref<40x128xi32, #tpu.memory_space<vmem>>, %arg6: memref<40x128x16xf32, #tpu.memory_space<vmem>>, %arg7: memref<!tpu.dma_semaphore, #tpu.memory_space<semaphore_mem>>) attributes {dimension_semantics = [#tpu.dimension_semantics<core_parallel>, #tpu.dimension_semantics<subcore_parallel>], iteration_bounds = array<i64: 2, 16>, scalar_prefetch = 0 : i64, scratch_operands = 3 : i64, tpu.core_type = #tpu.core_type<sc_vector_subcore>, window_params = [{transform_indices = #map}, {transform_indices = #map1}, {transform_indices = #map2}]} {
    %mul3A = arith.constant 2 : i32
    %mul3A_0 = arith.muli %arg1, %mul3A : i32
    %add3A = arith.addi %mul3A_0, %arg0 : i32
    "tpu.region"() ({
      %run_scoped3A = tpu.sem_alloc : memref<!tpu.dma_semaphore, #tpu.memory_space<semaphore_mem>>
      %dma_start3A = arith.constant 0 : i32
      %dma_start3A_15 = arith.constant 0 : i32
      %dma_start3A_16 = tpu.memref_slice %arg3[%add3A, %dma_start3A, %dma_start3A_15] : memref<32x40x128xi32, #tpu.memory_space<hbm>> -> memref<1x40x128xi32, #tpu.memory_space<hbm>>
      %dma_start3A_17 = tpu.memref_squeeze %dma_start3A_16 : memref<1x40x128xi32, #tpu.memory_space<hbm>> -> memref<40x128xi32, #tpu.memory_space<hbm>>
      %dma_start3A_18 = arith.constant 0 : i32
      %dma_start3A_19 = arith.constant 0 : i32
      %dma_start3A_20 = tpu.memref_slice %arg3[%add3A, %dma_start3A_18, %dma_start3A_19] : memref<32x40x128xi32, #tpu.memory_space<hbm>> -> memref<1x40x128xi32, #tpu.memory_space<hbm>>
      %dma_start3A_21 = tpu.memref_squeeze %dma_start3A_20 : memref<1x40x128xi32, #tpu.memory_space<hbm>> -> memref<40x128xi32, #tpu.memory_space<hbm>>
      tpu.enqueue_dma source(%dma_start3A_21 : memref<40x128xi32, #tpu.memory_space<hbm>>) target(%arg5 : memref<40x128xi32, #tpu.memory_space<vmem>>) target_semaphore(%run_scoped3A : memref<!tpu.dma_semaphore, #tpu.memory_space<semaphore_mem>>)
      %dma_wait3A_22 = arith.constant 0 : i32
      %dma_wait3A_23 = arith.constant 0 : i32
      %dma_wait3A_24 = tpu.memref_slice %arg3[%add3A, %dma_wait3A_22, %dma_wait3A_23] : memref<32x40x128xi32, #tpu.memory_space<hbm>> -> memref<1x40x128xi32, #tpu.memory_space<hbm>>
      %dma_wait3A_25 = tpu.memref_squeeze %dma_wait3A_24 : memref<1x40x128xi32, #tpu.memory_space<hbm>> -> memref<40x128xi32, #tpu.memory_space<hbm>>
      %dma_wait3A_26 = arith.constant 0 : i32
      %dma_wait3A_27 = arith.constant 0 : i32
      %dma_wait3A_28 = tpu.memref_slice %arg3[%add3A, %dma_wait3A_26, %dma_wait3A_27] : memref<32x40x128xi32, #tpu.memory_space<hbm>> -> memref<1x40x128xi32, #tpu.memory_space<hbm>>
      %dma_wait3A_29 = tpu.memref_squeeze %dma_wait3A_28 : memref<1x40x128xi32, #tpu.memory_space<hbm>> -> memref<40x128xi32, #tpu.memory_space<hbm>>
      tpu.wait_dma2 semaphore(%run_scoped3A : memref<!tpu.dma_semaphore, #tpu.memory_space<semaphore_mem>>) src(%dma_wait3A_29 : memref<40x128xi32, #tpu.memory_space<hbm>>) dst(%arg5 : memref<40x128xi32, #tpu.memory_space<vmem>>)
      tpu.yield
    }) : () -> ()
    %scan3A = arith.constant 0 : i32
    %scan3A_1 = arith.constant 0 : i32
    %scan3A_2 = arith.constant 40 : i32
    %scan3A_3 = arith.addi %scan3A_1, %scan3A_2 : i32
    %scan3A_4 = arith.constant 1 : i32
    scf.for %scan3A_15 = %scan3A_1 to %scan3A_3 step %scan3A_4  : i32 {
      %dma_start3A = arith.constant 0 : i32
      %dma_start3A_16 = arith.constant 0 : i32
      %dma_start3A_17 = tpu.memref_slice %arg6[%scan3A_15, %dma_start3A, %dma_start3A_16] : memref<40x128x16xf32, #tpu.memory_space<vmem>> -> memref<1x128x16xf32, #tpu.memory_space<vmem>>
      %dma_start3A_18 = tpu.memref_squeeze %dma_start3A_17 : memref<1x128x16xf32, #tpu.memory_space<vmem>> -> memref<128x16xf32, #tpu.memory_space<vmem>>
      %dma_start3A_19 = arith.constant 0 : i32
      %dma_start3A_20 = tpu.memref_slice %arg5[%scan3A_15, %dma_start3A_19] : memref<40x128xi32, #tpu.memory_space<vmem>> -> memref<1x128xi32, #tpu.memory_space<vmem>>
      %dma_start3A_21 = tpu.memref_squeeze %dma_start3A_20 : memref<1x128xi32, #tpu.memory_space<vmem>> -> memref<128xi32, #tpu.memory_space<vmem>>
      %dma_start3A_22 = arith.constant 0 : i32
      %dma_start3A_23 = arith.constant 0 : i32
      %dma_start3A_24 = tpu.memref_slice %arg2[%dma_start3A_22, %dma_start3A_23] : memref<1000000x16xf32, #tpu.memory_space<hbm>> -> memref<1000000x16xf32, #tpu.memory_space<hbm>>
      tpu.enqueue_indirect_dma source(%dma_start3A_24 : memref<1000000x16xf32, #tpu.memory_space<hbm>>) target(%dma_start3A_18 : memref<128x16xf32, #tpu.memory_space<vmem>>) offsets(%dma_start3A_21 : memref<128xi32, #tpu.memory_space<vmem>>) semaphore(%arg7 : memref<!tpu.dma_semaphore, #tpu.memory_space<semaphore_mem>>)
    }
    %scan3A_5 = arith.constant 40 : i32
    %dma_wait3A = arith.constant 0 : i32
    %dma_wait3A_6 = arith.constant 0 : i32
    %dma_wait3A_7 = arith.constant 0 : i32
    %dma_wait3A_8 = tpu.memref_slice %arg4[%add3A, %dma_wait3A, %dma_wait3A_6, %dma_wait3A_7] : memref<32x40x128x16xf32, #tpu.memory_space<hbm>> -> memref<1x40x128x16xf32, #tpu.memory_space<hbm>>
    %dma_wait3A_9 = tpu.memref_squeeze %dma_wait3A_8 : memref<1x40x128x16xf32, #tpu.memory_space<hbm>> -> memref<40x128x16xf32, #tpu.memory_space<hbm>>
    %dma_wait3A_10 = arith.constant 0 : i32
    %dma_wait3A_11 = arith.constant 0 : i32
    %dma_wait3A_12 = arith.constant 0 : i32
    %dma_wait3A_13 = tpu.memref_slice %arg4[%add3A, %dma_wait3A_10, %dma_wait3A_11, %dma_wait3A_12] : memref<32x40x128x16xf32, #tpu.memory_space<hbm>> -> memref<1x40x128x16xf32, #tpu.memory_space<hbm>>
    %dma_wait3A_14 = tpu.memref_squeeze %dma_wait3A_13 : memref<1x40x128x16xf32, #tpu.memory_space<hbm>> -> memref<40x128x16xf32, #tpu.memory_space<hbm>>
    tpu.wait_dma2 semaphore(%arg7 : memref<!tpu.dma_semaphore, #tpu.memory_space<semaphore_mem>>) src(%dma_wait3A_14 : memref<40x128x16xf32, #tpu.memory_space<hbm>>) dst(%arg6 : memref<40x128x16xf32, #tpu.memory_space<vmem>>)
    "tpu.region"() ({
      %run_scoped3A = tpu.sem_alloc : memref<!tpu.dma_semaphore, #tpu.memory_space<semaphore_mem>>
      %dma_start3A = arith.constant 0 : i32
      %dma_start3A_15 = arith.constant 0 : i32
      %dma_start3A_16 = arith.constant 0 : i32
      %dma_start3A_17 = tpu.memref_slice %arg4[%add3A, %dma_start3A, %dma_start3A_15, %dma_start3A_16] : memref<32x40x128x16xf32, #tpu.memory_space<hbm>> -> memref<1x40x128x16xf32, #tpu.memory_space<hbm>>
      %dma_start3A_18 = tpu.memref_squeeze %dma_start3A_17 : memref<1x40x128x16xf32, #tpu.memory_space<hbm>> -> memref<40x128x16xf32, #tpu.memory_space<hbm>>
      %dma_start3A_19 = arith.constant 0 : i32
      %dma_start3A_20 = arith.constant 0 : i32
      %dma_start3A_21 = arith.constant 0 : i32
      %dma_start3A_22 = tpu.memref_slice %arg4[%add3A, %dma_start3A_19, %dma_start3A_20, %dma_start3A_21] : memref<32x40x128x16xf32, #tpu.memory_space<hbm>> -> memref<1x40x128x16xf32, #tpu.memory_space<hbm>>
      %dma_start3A_23 = tpu.memref_squeeze %dma_start3A_22 : memref<1x40x128x16xf32, #tpu.memory_space<hbm>> -> memref<40x128x16xf32, #tpu.memory_space<hbm>>
      tpu.enqueue_dma source(%arg6 : memref<40x128x16xf32, #tpu.memory_space<vmem>>) target(%dma_start3A_23 : memref<40x128x16xf32, #tpu.memory_space<hbm>>) target_semaphore(%run_scoped3A : memref<!tpu.dma_semaphore, #tpu.memory_space<semaphore_mem>>)
      %dma_wait3A_24 = arith.constant 0 : i32
      %dma_wait3A_25 = arith.constant 0 : i32
      %dma_wait3A_26 = arith.constant 0 : i32
      %dma_wait3A_27 = tpu.memref_slice %arg4[%add3A, %dma_wait3A_24, %dma_wait3A_25, %dma_wait3A_26] : memref<32x40x128x16xf32, #tpu.memory_space<hbm>> -> memref<1x40x128x16xf32, #tpu.memory_space<hbm>>
      %dma_wait3A_28 = tpu.memref_squeeze %dma_wait3A_27 : memref<1x40x128x16xf32, #tpu.memory_space<hbm>> -> memref<40x128x16xf32, #tpu.memory_space<hbm>>
      %dma_wait3A_29 = arith.constant 0 : i32
      %dma_wait3A_30 = arith.constant 0 : i32
      %dma_wait3A_31 = arith.constant 0 : i32
      %dma_wait3A_32 = tpu.memref_slice %arg4[%add3A, %dma_wait3A_29, %dma_wait3A_30, %dma_wait3A_31] : memref<32x40x128x16xf32, #tpu.memory_space<hbm>> -> memref<1x40x128x16xf32, #tpu.memory_space<hbm>>
      %dma_wait3A_33 = tpu.memref_squeeze %dma_wait3A_32 : memref<1x40x128x16xf32, #tpu.memory_space<hbm>> -> memref<40x128x16xf32, #tpu.memory_space<hbm>>
      tpu.wait_dma2 semaphore(%run_scoped3A : memref<!tpu.dma_semaphore, #tpu.memory_space<semaphore_mem>>) src(%arg6 : memref<40x128x16xf32, #tpu.memory_space<vmem>>) dst(%dma_wait3A_33 : memref<40x128x16xf32, #tpu.memory_space<hbm>>)
      tpu.yield
    }) : () -> ()
    return
  }
}

module attributes {stable_mosaic.version = 14 : i64} {
  func.func @_mlp_body(%arg0: i32, %arg1: memref<2048x160xf32, #tpu.memory_space<vmem>>, %arg2: memref<2048x3xf32, #tpu.memory_space<vmem>>, %arg3: memref<163x32xf32, #tpu.memory_space<vmem>>, %arg4: memref<1x32xf32, #tpu.memory_space<vmem>>, %arg5: memref<32x163xf32, #tpu.memory_space<vmem>>, %arg6: memref<1x163xf32, #tpu.memory_space<vmem>>, %arg7: memref<163x32xf32, #tpu.memory_space<vmem>>, %arg8: memref<1x32xf32, #tpu.memory_space<vmem>>, %arg9: memref<32x163xf32, #tpu.memory_space<vmem>>, %arg10: memref<1x163xf32, #tpu.memory_space<vmem>>, %arg11: memref<163x1xf32, #tpu.memory_space<vmem>>, %arg12: memref<1x1xf32, #tpu.memory_space<vmem>>, %arg13: memref<2048x1xf32, #tpu.memory_space<vmem>>) attributes {dimension_semantics = [#tpu.dimension_semantics<arbitrary>], iteration_bounds = array<i64: 8>, scalar_prefetch = 0 : i64, scratch_operands = 0 : i64, tpu.core_type = #tpu.core_type<tc>, window_params = [{transform_indices = @transform_0, window_bounds = array<i64: 2048, 160>}, {transform_indices = @transform_1, window_bounds = array<i64: 2048, 3>}, {pipeline_mode = #tpu.pipeline_mode<synchronous>, transform_indices = @transform_2, window_bounds = array<i64: 163, 32>}, {pipeline_mode = #tpu.pipeline_mode<synchronous>, transform_indices = @transform_3, window_bounds = array<i64: 1, 32>}, {pipeline_mode = #tpu.pipeline_mode<synchronous>, transform_indices = @transform_4, window_bounds = array<i64: 32, 163>}, {pipeline_mode = #tpu.pipeline_mode<synchronous>, transform_indices = @transform_5, window_bounds = array<i64: 1, 163>}, {pipeline_mode = #tpu.pipeline_mode<synchronous>, transform_indices = @transform_6, window_bounds = array<i64: 163, 32>}, {pipeline_mode = #tpu.pipeline_mode<synchronous>, transform_indices = @transform_7, window_bounds = array<i64: 1, 32>}, {pipeline_mode = #tpu.pipeline_mode<synchronous>, transform_indices = @transform_8, window_bounds = array<i64: 32, 163>}, {pipeline_mode = #tpu.pipeline_mode<synchronous>, transform_indices = @transform_9, window_bounds = array<i64: 1, 163>}, {pipeline_mode = #tpu.pipeline_mode<synchronous>, transform_indices = @transform_10, window_bounds = array<i64: 163, 1>}, {pipeline_mode = #tpu.pipeline_mode<synchronous>, transform_indices = @transform_11, window_bounds = array<i64: 1, 1>}, {transform_indices = @transform_12, window_bounds = array<i64: 2048, 1>}]} {
    %get3A = arith.constant 0 : index
    %get3A_0 = arith.constant 0 : index
    %get3A_1 = vector.load %arg1[%get3A, %get3A_0] : memref<2048x160xf32, #tpu.memory_space<vmem>>, vector<2048x160xf32>
    %get3A_2 = arith.constant 0 : index
    %get3A_3 = arith.constant 0 : index
    %get3A_4 = vector.load %arg2[%get3A_2, %get3A_3] : memref<2048x3xf32, #tpu.memory_space<vmem>>, vector<2048x3xf32>
    %concatenate3A = tpu.concatenate %get3A_1, %get3A_4 in 1 : vector<2048x160xf32>, vector<2048x3xf32> -> vector<2048x163xf32>
    %get3A_5 = arith.constant 0 : index
    %get3A_6 = arith.constant 0 : index
    %get3A_7 = vector.load %arg3[%get3A_5, %get3A_6] : memref<163x32xf32, #tpu.memory_space<vmem>>, vector<163x32xf32>
    %dot_general3A = arith.constant dense<0.000000e+00> : vector<2048x32xf32>
    %dot_general3A_8 = tpu.matmul %concatenate3A, %get3A_7, %dot_general3A {dimension_numbers = #tpu.dot_dimension_numbers<[1], [0], [0], [1], [0, 0, 1, 1], [], []>, transpose_lhs_hint = false} : vector<2048x163xf32>, vector<163x32xf32>, vector<2048x32xf32> -> vector<2048x32xf32>
    %get3A_9 = arith.constant 0 : index
    %get3A_10 = arith.constant 0 : index
    %get3A_11 = vector.load %arg4[%get3A_9, %get3A_10] : memref<1x32xf32, #tpu.memory_space<vmem>>, vector<1x32xf32>
    %add3A = vector.broadcast %get3A_11 : vector<1x32xf32> to vector<2048x32xf32>
    %add3A_12 = arith.addf %dot_general3A_8, %add3A : vector<2048x32xf32>
    %max3A = arith.constant 0.000000e+00 : f32
    %max3A_13 = vector.broadcast %max3A : f32 to vector<2048x32xf32>
    %max3A_14 = arith.maximumf %add3A_12, %max3A_13 : vector<2048x32xf32>
    %get3A_15 = arith.constant 0 : index
    %get3A_16 = arith.constant 0 : index
    %get3A_17 = vector.load %arg5[%get3A_15, %get3A_16] : memref<32x163xf32, #tpu.memory_space<vmem>>, vector<32x163xf32>
    %dot_general3A_18 = arith.constant dense<0.000000e+00> : vector<2048x163xf32>
    %dot_general3A_19 = tpu.matmul %max3A_14, %get3A_17, %dot_general3A_18 {dimension_numbers = #tpu.dot_dimension_numbers<[1], [0], [0], [1], [0, 0, 1, 1], [], []>, transpose_lhs_hint = false} : vector<2048x32xf32>, vector<32x163xf32>, vector<2048x163xf32> -> vector<2048x163xf32>
    %get3A_20 = arith.constant 0 : index
    %get3A_21 = arith.constant 0 : index
    %get3A_22 = vector.load %arg6[%get3A_20, %get3A_21] : memref<1x163xf32, #tpu.memory_space<vmem>>, vector<1x163xf32>
    %add3A_23 = vector.broadcast %get3A_22 : vector<1x163xf32> to vector<2048x163xf32>
    %add3A_24 = arith.addf %dot_general3A_19, %add3A_23 : vector<2048x163xf32>
    %add3A_25 = arith.addf %add3A_24, %concatenate3A : vector<2048x163xf32>
    %max3A_26 = arith.constant 0.000000e+00 : f32
    %max3A_27 = vector.broadcast %max3A_26 : f32 to vector<2048x163xf32>
    %max3A_28 = arith.maximumf %add3A_25, %max3A_27 : vector<2048x163xf32>
    %get3A_29 = arith.constant 0 : index
    %get3A_30 = arith.constant 0 : index
    %get3A_31 = vector.load %arg7[%get3A_29, %get3A_30] : memref<163x32xf32, #tpu.memory_space<vmem>>, vector<163x32xf32>
    %dot_general3A_32 = arith.constant dense<0.000000e+00> : vector<2048x32xf32>
    %dot_general3A_33 = tpu.matmul %max3A_28, %get3A_31, %dot_general3A_32 {dimension_numbers = #tpu.dot_dimension_numbers<[1], [0], [0], [1], [0, 0, 1, 1], [], []>, transpose_lhs_hint = false} : vector<2048x163xf32>, vector<163x32xf32>, vector<2048x32xf32> -> vector<2048x32xf32>
    %get3A_34 = arith.constant 0 : index
    %get3A_35 = arith.constant 0 : index
    %get3A_36 = vector.load %arg8[%get3A_34, %get3A_35] : memref<1x32xf32, #tpu.memory_space<vmem>>, vector<1x32xf32>
    %add3A_37 = vector.broadcast %get3A_36 : vector<1x32xf32> to vector<2048x32xf32>
    %add3A_38 = arith.addf %dot_general3A_33, %add3A_37 : vector<2048x32xf32>
    %max3A_39 = arith.constant 0.000000e+00 : f32
    %max3A_40 = vector.broadcast %max3A_39 : f32 to vector<2048x32xf32>
    %max3A_41 = arith.maximumf %add3A_38, %max3A_40 : vector<2048x32xf32>
    %get3A_42 = arith.constant 0 : index
    %get3A_43 = arith.constant 0 : index
    %get3A_44 = vector.load %arg9[%get3A_42, %get3A_43] : memref<32x163xf32, #tpu.memory_space<vmem>>, vector<32x163xf32>
    %dot_general3A_45 = arith.constant dense<0.000000e+00> : vector<2048x163xf32>
    %dot_general3A_46 = tpu.matmul %max3A_41, %get3A_44, %dot_general3A_45 {dimension_numbers = #tpu.dot_dimension_numbers<[1], [0], [0], [1], [0, 0, 1, 1], [], []>, transpose_lhs_hint = false} : vector<2048x32xf32>, vector<32x163xf32>, vector<2048x163xf32> -> vector<2048x163xf32>
    %get3A_47 = arith.constant 0 : index
    %get3A_48 = arith.constant 0 : index
    %get3A_49 = vector.load %arg10[%get3A_47, %get3A_48] : memref<1x163xf32, #tpu.memory_space<vmem>>, vector<1x163xf32>
    %add3A_50 = vector.broadcast %get3A_49 : vector<1x163xf32> to vector<2048x163xf32>
    %add3A_51 = arith.addf %dot_general3A_46, %add3A_50 : vector<2048x163xf32>
    %add3A_52 = arith.addf %add3A_51, %max3A_28 : vector<2048x163xf32>
    %max3A_53 = arith.constant 0.000000e+00 : f32
    %max3A_54 = vector.broadcast %max3A_53 : f32 to vector<2048x163xf32>
    %max3A_55 = arith.maximumf %add3A_52, %max3A_54 : vector<2048x163xf32>
    %get3A_56 = arith.constant 0 : index
    %get3A_57 = arith.constant 0 : index
    %get3A_58 = vector.load %arg11[%get3A_56, %get3A_57] : memref<163x1xf32, #tpu.memory_space<vmem>>, vector<163x1xf32>
    %dot_general3A_59 = arith.constant dense<0.000000e+00> : vector<2048x1xf32>
    %dot_general3A_60 = tpu.matmul %max3A_55, %get3A_58, %dot_general3A_59 {dimension_numbers = #tpu.dot_dimension_numbers<[1], [0], [0], [1], [0, 0, 1, 1], [], []>, transpose_lhs_hint = false} : vector<2048x163xf32>, vector<163x1xf32>, vector<2048x1xf32> -> vector<2048x1xf32>
    %get3A_61 = arith.constant 0 : index
    %get3A_62 = arith.constant 0 : index
    %get3A_63 = vector.load %arg12[%get3A_61, %get3A_62] : memref<1x1xf32, #tpu.memory_space<vmem>>, vector<1x1xf32>
    %add3A_64 = vector.broadcast %get3A_63 : vector<1x1xf32> to vector<2048x1xf32>
    %add3A_65 = arith.addf %dot_general3A_60, %add3A_64 : vector<2048x1xf32>
    %logistic3A = arith.negf %add3A_65 : vector<2048x1xf32>
    %logistic3A_66 = math.exp %logistic3A : vector<2048x1xf32>
    %logistic3A_67 = arith.constant 1.000000e+00 : f32
    %logistic3A_68 = vector.broadcast %logistic3A_67 : f32 to vector<2048x1xf32>
    %logistic3A_69 = arith.addf %logistic3A_68, %logistic3A_66 : vector<2048x1xf32>
    %logistic3A_70 = arith.divf %logistic3A_68, %logistic3A_69 : vector<2048x1xf32>
    %swap3A = arith.constant 0 : index
    %swap3A_71 = arith.constant 0 : index
    %swap3A_72 = vector.load %arg13[%swap3A, %swap3A_71] : memref<2048x1xf32, #tpu.memory_space<vmem>>, vector<2048x1xf32>
    tpu.vector_store %arg13[%swap3A, %swap3A_71], %logistic3A_70 {strides = array<i32>} : memref<2048x1xf32, #tpu.memory_space<vmem>>, vector<2048x1xf32>,
    return
  }
  func.func @transform_0(%arg0: i32) -> (i32, i32) {
    %c0_i32 = arith.constant 0 : i32
    %c0_i32_0 = arith.constant 0 : i32
    return %arg0, %c0_i32 : i32, i32
  }
  func.func @transform_1(%arg0: i32) -> (i32, i32) {
    %c0_i32 = arith.constant 0 : i32
    %c0_i32_0 = arith.constant 0 : i32
    return %arg0, %c0_i32 : i32, i32
  }
  func.func @transform_2(%arg0: i32) -> (i32, i32) {
    %c0_i32 = arith.constant 0 : i32
    %c0_i32_0 = arith.constant 0 : i32
    %c0_i32_1 = arith.constant 0 : i32
    return %c0_i32, %c0_i32_0 : i32, i32
  }
  func.func @transform_3(%arg0: i32) -> (i32, i32) {
    %c0_i32 = arith.constant 0 : i32
    %c0_i32_0 = arith.constant 0 : i32
    %c0_i32_1 = arith.constant 0 : i32
    return %c0_i32, %c0_i32_0 : i32, i32
  }
  func.func @transform_4(%arg0: i32) -> (i32, i32) {
    %c0_i32 = arith.constant 0 : i32
    %c0_i32_0 = arith.constant 0 : i32
    %c0_i32_1 = arith.constant 0 : i32
    return %c0_i32, %c0_i32_0 : i32, i32
  }
  func.func @transform_5(%arg0: i32) -> (i32, i32) {
    %c0_i32 = arith.constant 0 : i32
    %c0_i32_0 = arith.constant 0 : i32
    %c0_i32_1 = arith.constant 0 : i32
    return %c0_i32, %c0_i32_0 : i32, i32
  }
  func.func @transform_6(%arg0: i32) -> (i32, i32) {
    %c0_i32 = arith.constant 0 : i32
    %c0_i32_0 = arith.constant 0 : i32
    %c0_i32_1 = arith.constant 0 : i32
    return %c0_i32, %c0_i32_0 : i32, i32
  }
  func.func @transform_7(%arg0: i32) -> (i32, i32) {
    %c0_i32 = arith.constant 0 : i32
    %c0_i32_0 = arith.constant 0 : i32
    %c0_i32_1 = arith.constant 0 : i32
    return %c0_i32, %c0_i32_0 : i32, i32
  }
  func.func @transform_8(%arg0: i32) -> (i32, i32) {
    %c0_i32 = arith.constant 0 : i32
    %c0_i32_0 = arith.constant 0 : i32
    %c0_i32_1 = arith.constant 0 : i32
    return %c0_i32, %c0_i32_0 : i32, i32
  }
  func.func @transform_9(%arg0: i32) -> (i32, i32) {
    %c0_i32 = arith.constant 0 : i32
    %c0_i32_0 = arith.constant 0 : i32
    %c0_i32_1 = arith.constant 0 : i32
    return %c0_i32, %c0_i32_0 : i32, i32
  }
  func.func @transform_10(%arg0: i32) -> (i32, i32) {
    %c0_i32 = arith.constant 0 : i32
    %c0_i32_0 = arith.constant 0 : i32
    %c0_i32_1 = arith.constant 0 : i32
    return %c0_i32, %c0_i32_0 : i32, i32
  }
  func.func @transform_11(%arg0: i32) -> (i32, i32) {
    %c0_i32 = arith.constant 0 : i32
    %c0_i32_0 = arith.constant 0 : i32
    %c0_i32_1 = arith.constant 0 : i32
    return %c0_i32, %c0_i32_0 : i32, i32
  }
  func.func @transform_12(%arg0: i32) -> (i32, i32) {
    %c0_i32 = arith.constant 0 : i32
    %c0_i32_0 = arith.constant 0 : i32
    return %arg0, %c0_i32 : i32, i32
  }
}

</mosaic_0001>

<sc_bundles>
// kernel: kernel.4.cloned.1.call-start
scs
__scs_entry_jumppad:
0x0: {  	(pc) =	sbr.rel $0x88, $3  }
0x1: {  	(tag) =	ssettag $0x0;
	lr =	simm.s32 $0x1  }
0x2: {  	[smem:$0x3F89] =	sst lr;
	_ =	strace $0xD0000000  }
0x3: {  	_ = 	snop  }
0x4: {  	_ = 	snop  }
0x5: {  	_ = 	snop  }
0x6: {  	_ = 	snop  }
0x7: {  	_ = 	snop  }
__scs_overlays_trampoline_lowered:
0x8: {  	[smem:$0x3F98] =	sst s0  }
0x9: {  	[smem:$0x3F99] =	sst s1  }
0xa: {  	[smem:$0x3F9A] =	sst s2  }
0xb: {  	[smem:$0x3F9B] =	sst s3  }
0xc: {  	[smem:$0x3F9C] =	sst s4  }
0xd: {  	[smem:$0x3F9D] =	sst s5  }
0xe: {  	[smem:$0x3F9E] =	sst s6  }
0xf: {  	[smem:$0x3F9F] =	sst s7  }
0x10: {  	[smem:$0x3FA0] =	sst s8  }
0x11: {  	[smem:$0x3FA1] =	sst s9;
	s0 =	simm.s32 @!p0 $0x0  }
0x12: {  	s1 =	sld [smem:$0x3F87];
	s0 =	simm.s32 @p0 $0x1  }
0x13: {  	[smem:$0x3FA2] =	sst s0;
	s0 =	simm.s32 @!p1 $0x0  }
0x14: {  	s2 =	sld [smem:$0x3F86];
	s0 =	simm.s32 @p1 $0x1  }
0x15: {  	[smem:$0x3FA3] =	sst s0;
	s0 =	simm.s32 @!p2 $0x0  }
0x16: {  	s3 =	sld [smem:$0x3FDB];
	s0 =	simm.s32 @p2 $0x1  }
0x17: {  	s4 =	simm.s32 $0x1BF5;
	[smem:$0x3FA5] =	sst s0  }
0x18: {  	s0 =	sld [smem:$0x3F88];
	_ =	swait.ge [sflag:s4], $0x0  }
0x19: {  	s7 =	sld [smem:$0x3F89]  }
0x1a: {  	s8 =	sadd.s32 $0xFFFFE003, lr  }
0x1b: {  	s9 =	sadd.s32 $0xFFFFFEF7, lr;
	s5 =	simm.s32 $0xFFFFFFFF;
	p2 =	slt.u32 s8, $0xFFFFF086  }
0x1c: {  	p1 =	slt.u32 s9, $0xF7A;
	s5 =	simm.s32 @!p2 $0x0  }
0x1d: {  	s5 =	simm.s32 @p1 $0x1;
	p0 =	seq.s32 s7, s2  }
0x1e: {  	s7 =	smul.u32 @!p0 $0xF7A, s2;
	p2 =	seq.s32 @!p0 s5, $0x0  }
0x1f: {  	s9 =	smul.u32 $0xF7A, s1;
	s8 =	simm.s32 @!p0 $0x1BF5;
	p2 =	por !p2, p0  }
0x20: {  	[sflag:s8] =	ssyncset.s32 @!p0 $0xFFFFF086;
	s6 =	sadd.s32 @!p0 s3, s7;
	s7 =	simm.s32 @!p0 $0x108  }
0x21: {  	s3 =	sadd.s32 s3, s9;
	s6 =	sadd.s32 @!p0 $0x88, s6;
	s7 =	simm.s32 @p2 $0x1082  }
0x22: {  	[simem:s7], [sflag:s8] =	dma.local @!p0 [hbm:s6], $0xF7A  }
0x23: {  	s9 =	sor.u32 $0xD0000000, s2;
	s6 =	simm.s32 $0x108;
	_ =	swait.ge @!p0 [sflag:s8], $0x0  }
0x24: {  	s3 =	sadd.s32 $0x88, s3;
	s6 =	simm.s32 @!p1 $0x1082;
	[sflag:s4] =	ssyncset.s32 $0xFFFFF086  }
0x25: {  	[simem:s6], [sflag:s4] =	dma.local [hbm:s3], $0xF7A  }
0x26: {  	[smem:$0x3F89] =	sst s1;
	(tag) =	ssettag s2;
	_ =	strace s9  }
0x27: {  	s1 =	sld [smem:$0x3F99]  }
0x28: {  	s2 =	sld [smem:$0x3F9A]  }
0x29: {  	s4 =	sld [smem:$0x3F9C]  }
0x2a: {  	p0 =	seq.s32 s5, $0x0;
	s5 =	sld [smem:$0x3F9D]  }
0x2b: {  	s6 =	sld [smem:$0x3F9E]  }
0x2c: {  	s7 =	sld [smem:$0x3F9F]  }
0x2d: {  	s3 =	simm.s32 $0x108;
	s8 =	sld [smem:$0x3FA0]  }
0x2e: {  	s3 =	simm.s32 @!p0 $0x1082;
	s9 =	sld [smem:$0x3FA1]  }
0x2f: {  	lr =	sadd.s32 s0, s3;
	s0 =	sld [smem:$0x3F98]  }
0x30: {  	s3 =	sld [smem:$0x3F9B]  }
0x31: {  	[smem:$0x3FA4] =	sst s10  }
0x32: {  	s10 =	sld [smem:$0x3FA2];
	_ =	sdelay $0x3  }
0x33: {  	p0 =	seq.s32 s10, $0x1;
	s10 =	sld [smem:$0x3FA4];
	_ =	sdelay $0x3  }
0x34: {  	[smem:$0x3FA4] =	sst s10  }
0x35: {  	s10 =	sld [smem:$0x3FA3];
	_ =	sdelay $0x3  }
0x36: {  	p1 =	seq.s32 s10, $0x1;
	s10 =	sld [smem:$0x3FA4];
	_ =	sdelay $0x3  }
0x37: {  	[smem:$0x3FA4] =	sst s10  }
0x38: {  	s10 =	sld [smem:$0x3FA5]  }
0x39: {  	_ = 	snop;
	(pc) =	sbr.ind lr, $3  }
0x3a: {  	_ = 	snop  }
0x3b: {  	_ = 	snop  }
0x3c: {  	p2 =	seq.s32 s10, $0x1;
	s10 =	sld [smem:$0x3FA4]  }
0x3d: {  	_ =	shalt  }
0x3e: {  	_ =	shalt  }
0x3f: {  	_ =	shalt  }
0x40: {  	_ =	shalt  }
0x41: {  	_ =	shalt  }
0x42: {  	_ =	shalt  }
0x43: {  	_ =	shalt  }
0x44: {  	_ =	shalt  }
0x45: {  	_ =	shalt  }
0x46: {  	_ =	shalt  }
0x47: {  	_ =	shalt  }
0x48: {  	_ =	shalt  }
0x49: {  	_ =	shalt  }
0x4a: {  	_ =	shalt  }
0x4b: {  	_ =	shalt  }
0x4c: {  	_ =	shalt  }
0x4d: {  	_ =	shalt  }
0x4e: {  	_ =	shalt  }
0x4f: {  	_ =	shalt  }
0x50: {  	_ =	shalt  }
0x51: {  	_ =	shalt  }
0x52: {  	_ =	shalt  }
0x53: {  	_ =	shalt  }
0x54: {  	_ =	shalt  }
0x55: {  	_ =	shalt  }
0x56: {  	_ =	shalt  }
0x57: {  	_ =	shalt  }
0x58: {  	_ =	shalt  }
0x59: {  	_ =	shalt  }
0x5a: {  	_ =	shalt  }
0x5b: {  	_ =	shalt  }
0x5c: {  	_ =	shalt  }
0x5d: {  	_ =	shalt  }
0x5e: {  	_ =	shalt  }
0x5f: {  	_ =	shalt  }
0x60: {  	_ =	shalt  }
0x61: {  	_ =	shalt  }
0x62: {  	_ =	shalt  }
0x63: {  	_ =	shalt  }
0x64: {  	_ =	shalt  }
0x65: {  	_ =	shalt  }
0x66: {  	_ =	shalt  }
0x67: {  	_ =	shalt  }
0x68: {  	_ =	shalt  }
0x69: {  	_ =	shalt  }
0x6a: {  	_ =	shalt  }
0x6b: {  	_ =	shalt  }
0x6c: {  	_ =	shalt  }
0x6d: {  	_ =	shalt  }
0x6e: {  	_ =	shalt  }
0x6f: {  	_ =	shalt  }
0x70: {  	_ =	shalt  }
0x71: {  	_ =	shalt  }
0x72: {  	_ =	shalt  }
0x73: {  	_ =	shalt  }
0x74: {  	_ =	shalt  }
0x75: {  	_ =	shalt  }
0x76: {  	_ =	shalt  }
0x77: {  	_ =	shalt  }
0x78: {  	_ =	shalt  }
0x79: {  	_ =	shalt  }
0x7a: {  	_ =	shalt  }
0x7b: {  	_ =	shalt  }
0x7c: {  	_ =	shalt  }
0x7d: {  	_ =	shalt  }
0x7e: {  	_ =	shalt  }
0x7f: {  	_ =	shalt  }
0x80: {  	_ =	shalt  }
0x81: {  	_ =	shalt  }
0x82: {  	_ =	shalt  }
0x83: {  	_ =	shalt  }
0x84: {  	_ =	shalt  }
0x85: {  	_ =	shalt  }
0x86: {  	_ =	shalt  }
0x87: {  	_ =	shalt  }
.Lfunc_end0:
.L_simem_size_0:
called_computation_lowered:
.L_overlay_start_0:
0x88: {  	s2 =	sld [smem:$0x3FD9]  }
0x89: {  	s3 =	sld [smem:$0x3FFE];
	_ =	sdelay $0x1  }
0x8a: {  	s1 =	srdreg.scid  }
0x8b: {  	s0 =	sand.u32 $0x1, s1  }
0x8c: {  	s16 =	sshll.u32 s0, $0xA;
	s2 =	sadd.s32 s3, s2  }
0x8d: {  	s2 =	sadd.s32 s2, s16  }
0x8e: {  	[smem:$0x3FB0] =	sst s2  }
0x8f: {  	_ = 	snop  }
0x90: {  	(tm) =	ssettm $0x1  }
0x91: {  	s17 =	sld [smem:$0x3FFB];
	_ =	sdelay $0x3  }
0x92: {  	_ =	strace s17  }
0x93: {  	s2 =	sld [smem:$0x3FFC];
	_ =	sdelay $0x3  }
0x94: {  	_ =	strace s2  }
0x95: {  	s2 =	sld [smem:$0x3FFD];
	_ =	sdelay $0x3  }
0x96: {  	_ =	strace s2  }
0x97: {  	_ =	strace $0x8FFFFFFF  }
0x98: {  	s18 =	sld [smem:$0x3FDB];
	_ =	sdelay $0x1  }
0x99: {  	s19 =	simm.s32 $_scs_section_size  }
0x9a: {  	s4 =	simm.s32 $_size__tile_overlayer_lowered;
	s5 =	simm.s32 $_tile_overlayer_lowered  }
0x9b: {  	s22 =	simm.s32 $0x1BFF;
	s21 =	sshll.u32 s5, $0x1;
	s2 =	sadd.s32 s19, s18  }
0x9c: {  	s6 =	simm.s32 $0x0;
	s20 =	sshll.u32 s4, $0x1;
	s4 =	sadd.s32 s21, s2  }
0x9d: {  	[timem:s6], [sflag:s22] =	dma.local [hbm:s4], s20  }
0x9e: {  	_ =	swait.ge [sflag:s22], s20  }
0x9f: {  	s3 =	ssub.s32 $0x0, s20;
	[sflag:s22] =	ssyncset.done $0x0  }
0xa0: {  	[sflag:s22] =	ssyncadd.s32 s3;
	_ =	sdelay $0x1  }
0xa1: {  	s23 =	simm.s32 $0x1B8B  }
0xa2: {  	_ =	swait.ge [sflag:s23], $0x1  }
0xa3: {  	[sflag:s23] =	ssyncset.done $0x0  }
0xa4: {  	s25 =	simm.s32 $0x1B8E;
	s24 =	sld [smem:$0x3FFE];
	[sflag:s23] =	ssyncadd.s32 $0xFFFFFFFF  }
0xa5: {  	s26 =	simm.s32 $execute0_lowered;
	[smem:$0x3FD2] =	sst s25  }
0xa6: {  	s4 =	sshll.u32 s26, $0x1;
	_ =	strace $0x80000046;
	[dreg:$0x1] =	wrdreg $0xFFFFFFFF  }
0xa7: {  	s28 =	simm.s32 $_size_execute0_lowered;
	s2 =	sadd.s32 s2, s4;
	[dreg:$0x0] =	wrdreg $0x0  }
0xa8: {  	s4 =	sshll.u32 s28, $0x1;
	[dreg:$0x2] =	wrdreg s2  }
0xa9: {  	[dreg:$0x3] =	wrdreg s4  }
0xaa: {  	[dreg:$0x4] =	wrdreg $0xC0  }
0xab: {  	_ =	task [dreg:s6], $0x5FFFF  }
0xac: {  	[dreg:$0x1] =	wrdreg $0xFFFFFFFF  }
0xad: {  	[dreg:$0x0] =	wrdreg $0x60  }
0xae: {  	[dreg:$0x2] =	wrdreg s24  }
0xaf: {  	[dreg:$0x3] =	wrdreg $0x9  }
0xb0: {  	_ =	task.clear_ibuf [dreg:s6], $0x4FFFF;
	_ =	strace $0x90000046  }
0xb1: {  	s29 =	simm.s32 $0x9;
	_ =	strace $0x80000048  }
0xb2: {  	_ =	swait.ge [sflag:s29], $0x1  }
0xb3: {  	[sflag:s29] =	ssyncadd.s32 $0xFFFFFFFF  }
0xb4: {  	_ =	strace $0x90000048  }
0xb5: {  	_ =	sfence  }
0xb6: {  	s30 =	sld [smem:$0x0];
	_ =	sdelay $0x2  }
0xb7: {  	s31 =	sshll.u32 s1, $0xD;
	s1 =	sshrl.u32 s1, $0x2  }
0xb8: {  	s3 =	sand.u32 $0x4000, s31;
	s1 =	sadd.s32 s1, s30  }
0xb9: {  	s0 =	sor.u32 s3, s0;
	s1 =	sshll.u32 s1, $0x11  }
0xba: {  	s0 =	sor.u32 s1, s0  }
0xbb: {  	s0 =	sadd.s32 $0x8F2B, s0  }
0xbc: {  	[sflag:s0] =	ssyncadd.remote.s32 $0x1  }
0xbd: {  	_ =	sfence.sel $0xFFFF  }
0xbe: {  	[dreg:$0x0] =	wrdreg $0xFFFFFFFF;
	(pc) =	sbr.abs _section_cstart, $3  }
0xbf: {  	[dreg:$0x1] =	wrdreg $0xFFFFFFFF  }
0xc0: {  	_ =	task.clear_ibuf [dreg:s6], $0x2FFFF;
	_ =	strace $0x9FFFFFFF  }
0xc1: {  	(tm) =	ssettm $0x7FFFFFFF  }
tec
execute0_lowered:
.L_overlay_start_1:
0x0: {  	(tag) =	ssettag $0x1  }
0x1: {  	s1 =	srdreg.scid;
	s0 =	stileid.u32  }
0x2: {  	s5 =	rddreg [dreg:$0x0];
	s2 =	simm.s32 $0x0;
	s8 =	simm.s32 $0x80  }
0x3: {  	s9 =	simm.s32 $0x1;
	s4 =	sand.u32 $0x1, s1;
	s30 =	sshll.u32 s0, $0x1  }
0x4: {  	s10 =	simm.s32 $0x1400;
	s1 =	rddreg [dreg:$0x1];
	s3 =	sor.u32 s4, s30  }
0x5: {  	s11 =	simm.s32 $0x0;
	[smem:$0x7FF] =	sst s2;
	s6 =	smul.u32 $0x280, s3  }
0x6: {  	_ =	strace $0x80000047;
	s4 =	ssub.s32 $0x2, s4;
	s7 =	smul.u32 $0x2800, s3  }
0x7: {  	s3 =	sadd.s32 $0xF45400, s5;
	s31 =	sshrl.u32 s4, $0x1;
	s6 =	sadd.s32 s6, s5  }
0x8: {  	s5 =	sadd.s32 s7, s5;
	s7 =	ssub.s32 s4, s31;
	s4 =	sadd.s32 $0x3000, s6  }
0x9: {  	s5 =	sadd.s32 $0x8000, s5;
	s6 =	smax.u32 s7, $0x1;
	s7 =	simm.s32 $0x2  }
.LBB2_1:
0xa: {  	[tilespmem:s2], [sflag:$0x2] =	stream.linear.gather [hbm4b:s4+s2], $0x1400, $0x38;
	[tilespmem:$0x15400] =	vst v63  }
0xb: {  	_ =	swait.ge [sflag:s7], $0x1400  }
0xc: {  	s12 =	simm.s32 $0x200;
	s15 =	simm.s32 $0x0;
	[sflag:s7] =	ssyncset.done $0x0  }
0xd: {  	s13 =	simm.s32 $0x1C00;
	s14 =	simm.s32 $0x1400;
	[sflag:s7] =	ssyncadd.s32 $0xFFFFEC00  }
.LBB2_2:
0xe: {  	[tilespmem:s14], [sflag:$0x1] =	stream.indirect.gather [hbm4b:s3+s8], $0x10, s15, s8, $0xb8;
	[tilespmem:$0x15400] =	vst v63  }
0xf: {  	s15 =	smov.u32 s12;
	s14 =	smov.u32 s13;
	p0 =	sne.s32 s12, $0x4E00  }
.Ltmp0:
0x10: {  	s12 =	sadd.s32 $0x200, s12;
	(pc) =	sbr.rel @p0 .LBB2_2-.Ltmp0, $2  }
0x11: {  	_ =	sdelay $0x2  }
0x12: {  	s13 =	sadd.s32 $0x800, s13;
	s15 =	sshra.s32 s15, $0x2  }
0x13: {  	[tilespmem:s14], [sflag:$0x1] =	stream.indirect.gather [hbm4b:s3+s8], $0x10, s15, s8, $0xb8;
	[tilespmem:$0x15400] =	vst v63  }
0x14: {  	s11 =	sadd.s32 $0x1, s11;
	_ =	swait.ge [sflag:s9], $0x14000  }
0x15: {  	p0 =	sne.s32 s11, s6;
	[sflag:s9] =	ssyncset.done $0x0  }
.Ltmp1:
0x16: {  	[sflag:s9] =	ssyncadd.s32 $0xFFFEC000;
	(pc) =	sbr.rel @p0 .LBB2_1-.Ltmp1, $4  }
0x17: {  	[hbm4b:s5+s2] =	stream.linear.scatter [tilespmem:s10], [sflag:$0x2], $0x14000, $0x38;
	[tilespmem:$0x15400] =	vst v63  }
0x18: {  	_ =	swait.ge [sflag:s7], $0x14000  }
0x19: {  	[sflag:s7] =	ssyncset.done $0x0  }
0x1a: {  	[sflag:s7] =	ssyncadd.s32 $0xFFFEC000  }
0x1b: {  	_ =	sfence.sel $0x180000  }
0x1c: {  	[bflag:$0x0] =	sbarrier.arrive $0xFFFF  }
0x1d: {  	p0 =	sne.s32 s0, $0x0;
	_ =	strace $0x90000047  }
0x1e: {  	s0 =	sadd.s32 @!p0 $0x100000, s1;
	[bflag:$0x2] =	sbarrier.arrive $0xFFFF  }
0x1f: {  	[sflag:s0] =	ssyncadd.tile.s32 @!p0 $0x1;
	_ =	shalt  }
.Lfunc_end2:
_tile_overlayer_lowered:
.L_overlay_start_2:
0x20: {  	(tag) =	ssettag $0x2  }
0x21: {  	s0 =	rddreg [dreg:$0x0];
	s2 =	stileid.u32  }
0x22: {  	s1 =	rddreg [dreg:$0x1];
	p0 =	sne.s32 s2, $0x0  }
0x23: {  	s3 =	rddreg [dreg:$0x2];
	[bflag:$0x3] =	sbarrier.arrive $0xFFFF;
	s2 =	simm.s32 @!p0 $0x1C02  }
0x24: {  	[timem:s3], [sflag:s2] =	dma.local @!p0 [hbm:s0], s1  }
0x25: {  	s0 =	simm.s32 @!p0 $0x2  }
0x26: {  	_ =	swait.ge @!p0 [sflag:s0], s1  }
0x27: {  	s1 =	ssub.s32 @!p0 $0x0, s1;
	[sflag:s0] =	ssyncset.done @!p0 $0x0  }
0x28: {  	[sflag:s0] =	ssyncadd.s32 @!p0 s1  }
0x29: {  	[bflag:$0x3] =	sbarrier.arrive $0xFFFF  }
0x2a: {  	_ =	shalt  }

</sc_bundles>
